<compile_context>
chip_gen: v7x
topology: tpu7x:2x2x1
jax: 0.10.2.dev20260603
libtpu: 0.0.44.dev20260713+nightly
codegen_flags: <defaults>
</compile_context>

<pallas_src>
import functools

import jax
import jax.numpy as jnp
from jax import lax
from jax.experimental import pallas as pl
from jax.experimental.pallas import tpu as pltpu
from jax.experimental.pallas import tpu_sc as plsc

TOKENS = 16384
N_EMBD = 2048
N_EXPERTS = 8
TOPK = 2
BLOCK = 1024

NUM_CORES = 2
NUM_SUBCORES = 16
LANES = 16
NUM_WORKERS = NUM_CORES * NUM_SUBCORES
TOK_PER_WORKER = TOKENS // NUM_WORKERS


def _scores_block(wt_ref, x_ref, st_ref):
    st = lax.dot_general(
        wt_ref[...], x_ref[...],
        dimension_numbers=(((1,), (1,)), ((), ())),
        preferred_element_type=jnp.float32,
    )
    st_ref[...] = jax.nn.sigmoid(st)


def _tc_scores_t(x, weight):
    n_tokens = x.shape[0]
    return pl.pallas_call(
        _scores_block,
        grid=(n_tokens // BLOCK,),
        in_specs=[
            pl.BlockSpec((N_EXPERTS, N_EMBD), lambda i: (0, 0)),
            pl.BlockSpec((BLOCK, N_EMBD), lambda i: (i, 0)),
        ],
        out_specs=pl.BlockSpec((N_EXPERTS, BLOCK), lambda i: (0, i)),
        out_shape=jax.ShapeDtypeStruct((N_EXPERTS, n_tokens), jnp.float32),
        compiler_params=pltpu.CompilerParams(
            dimension_semantics=("arbitrary",),
        ),
    )(weight.T, x)


@functools.partial(
    pl.kernel,
    mesh=plsc.VectorSubcoreMesh(core_axis_name="c", subcore_axis_name="s"),
    out_type=[
        jax.ShapeDtypeStruct((TOPK, TOKENS), jnp.float32),
        jax.ShapeDtypeStruct((TOPK, TOKENS), jnp.int32),
    ],
    scratch_types=[
        pltpu.VMEM((N_EXPERTS, TOK_PER_WORKER), jnp.float32),
        pltpu.VMEM((TOPK, TOK_PER_WORKER), jnp.float32),
        pltpu.VMEM((TOPK, TOK_PER_WORKER), jnp.int32),
    ],
    compiler_params=pltpu.CompilerParams(needs_layout_passes=False),
)
def _sc_route(st_hbm, wt_hbm, it_hbm, s_v, w_v, i_v):
    wid = lax.axis_index("s") * NUM_CORES + lax.axis_index("c")
    base = wid * TOK_PER_WORKER
    pltpu.sync_copy(st_hbm.at[:, pl.ds(base, TOK_PER_WORKER)], s_v)

    def chunk(c, carry):
        off = c * LANES
        cols = [s_v[e, pl.ds(off, LANES)] for e in range(N_EXPERTS)]
        m1 = cols[0]
        for e in range(1, N_EXPERTS):
            m1 = jnp.maximum(m1, cols[e])
        i1 = jnp.full((LANES,), N_EXPERTS - 1, jnp.int32)
        for e in range(N_EXPERTS - 2, -1, -1):
            i1 = jnp.where(cols[e] == m1, e, i1)
        rest = [jnp.where(i1 == e, -1.0, cols[e]) for e in range(N_EXPERTS)]
        m2 = rest[0]
        for e in range(1, N_EXPERTS):
            m2 = jnp.maximum(m2, rest[e])
        i2 = jnp.full((LANES,), N_EXPERTS - 1, jnp.int32)
        for e in range(N_EXPERTS - 2, -1, -1):
            i2 = jnp.where(rest[e] == m2, e, i2)
        denom = m1 + m2 + 1e-6
        w_v[0, pl.ds(off, LANES)] = m1 / denom
        w_v[1, pl.ds(off, LANES)] = m2 / denom
        i_v[0, pl.ds(off, LANES)] = i1
        i_v[1, pl.ds(off, LANES)] = i2
        return carry

    lax.fori_loop(0, TOK_PER_WORKER // LANES, chunk, 0)

    pltpu.sync_copy(w_v, wt_hbm.at[:, pl.ds(base, TOK_PER_WORKER)])
    pltpu.sync_copy(i_v, it_hbm.at[:, pl.ds(base, TOK_PER_WORKER)])


def kernel(x, weight):
    st = _tc_scores_t(x, weight)
    wt, it = _sc_route(st)
    return (st.T, wt.T, it.T)

# --- scband reference (transcript-rebuilt; emitter-appended) ---
"""Pipeline reference for scband-gate-47425028882760 (READ-ONLY COPY).

The authoritative reference and input builder live on the scoring server;
editing this copy changes nothing except your own understanding.
"""

import jax, jax.numpy as jnp
import numpy as np

N_EMBD = 2048
N_EXPERTS = 8
TOPK = 2
ROUTE_SCALE = 1.0
TOKENS = 16384

def setup_inputs(seed: int = 0) -> dict:
    key = jax.random.key(seed)
    kx, kw = jax.random.split(key)
    x = jax.random.normal(kx, (TOKENS, N_EMBD), dtype=jnp.float32)
    weight = jax.random.normal(kw, (N_EMBD, N_EXPERTS), dtype=jnp.float32) * 0.02
    return {"x": x, "weight": weight}

def reference(x, weight):
    # scores = x @ weight
    scores = x @ weight
    # score_func == 'sigmoid'
    scores = jax.nn.sigmoid(scores)
    original_scores = scores
    # bias is None (n_embd != 7168), n_groups == 1 -> no group masking
    _, indices = jax.lax.top_k(scores, TOPK)
    weights = jnp.take_along_axis(original_scores, indices, axis=1)
    # sigmoid score_func normalization
    weights = weights / (jnp.sum(weights, axis=-1, keepdims=True) + 1e-06)
    weights = weights * ROUTE_SCALE
    weights = weights.astype(x.dtype)
    return (original_scores, weights, indices)

if __name__ == "__main__":
    import jax
    _d = setup_inputs()
    print(jax.jit(kernel)(*tuple(_d.values())))

</pallas_src>

<mosaic_0001>
#map = affine_map<(d0, d1) -> (0, 0)>
module attributes {stable_mosaic.version = 14 : i64} {
  func.func @_sc_route(%arg0: i32, %arg1: i32, %arg2: memref<8x16384xf32, #tpu.memory_space<hbm>>, %arg3: memref<2x16384xf32, #tpu.memory_space<hbm>>, %arg4: memref<2x16384xi32, #tpu.memory_space<hbm>>, %arg5: memref<8x512xf32, #tpu.memory_space<vmem>>, %arg6: memref<2x512xf32, #tpu.memory_space<vmem>>, %arg7: memref<2x512xi32, #tpu.memory_space<vmem>>) attributes {dimension_semantics = [#tpu.dimension_semantics<core_parallel>, #tpu.dimension_semantics<subcore_parallel>], iteration_bounds = array<i64: 2, 16>, scalar_prefetch = 0 : i64, scratch_operands = 3 : i64, tpu.core_type = #tpu.core_type<sc_vector_subcore>, window_params = [{transform_indices = #map}, {transform_indices = #map}, {transform_indices = #map}]} {
    %mul3A = arith.constant 2 : i32
    %mul3A_0 = arith.muli %arg1, %mul3A : i32
    %add3A = arith.addi %mul3A_0, %arg0 : i32
    %mul3A_1 = arith.constant 512 : i32
    %mul3A_2 = arith.muli %add3A, %mul3A_1 : i32
    "tpu.region"() ({
      %run_scoped3A = tpu.sem_alloc : memref<!tpu.dma_semaphore, #tpu.memory_space<semaphore_mem>>
      %dma_start3A = arith.constant 0 : i32
      %dma_start3A_8 = tpu.memref_slice %arg2[%dma_start3A, %mul3A_2] : memref<8x16384xf32, #tpu.memory_space<hbm>> -> memref<8x512xf32, #tpu.memory_space<hbm>>
      %dma_start3A_9 = arith.constant 0 : i32
      %dma_start3A_10 = tpu.memref_slice %arg2[%dma_start3A_9, %mul3A_2] : memref<8x16384xf32, #tpu.memory_space<hbm>> -> memref<8x512xf32, #tpu.memory_space<hbm>>
      tpu.enqueue_dma source(%dma_start3A_10 : memref<8x512xf32, #tpu.memory_space<hbm>>) target(%arg5 : memref<8x512xf32, #tpu.memory_space<vmem>>) target_semaphore(%run_scoped3A : memref<!tpu.dma_semaphore, #tpu.memory_space<semaphore_mem>>)
      %dma_wait3A = arith.constant 0 : i32
      %dma_wait3A_11 = tpu.memref_slice %arg2[%dma_wait3A, %mul3A_2] : memref<8x16384xf32, #tpu.memory_space<hbm>> -> memref<8x512xf32, #tpu.memory_space<hbm>>
      %dma_wait3A_12 = arith.constant 0 : i32
      %dma_wait3A_13 = tpu.memref_slice %arg2[%dma_wait3A_12, %mul3A_2] : memref<8x16384xf32, #tpu.memory_space<hbm>> -> memref<8x512xf32, #tpu.memory_space<hbm>>
      tpu.wait_dma2 semaphore(%run_scoped3A : memref<!tpu.dma_semaphore, #tpu.memory_space<semaphore_mem>>) src(%dma_wait3A_13 : memref<8x512xf32, #tpu.memory_space<hbm>>) dst(%arg5 : memref<8x512xf32, #tpu.memory_space<vmem>>)
      tpu.yield
    }) : () -> ()
    %scan3A = arith.constant 0 : i32
    %scan3A_3 = arith.constant 0 : i32
    %scan3A_4 = arith.constant 32 : i32
    %scan3A_5 = arith.addi %scan3A_3, %scan3A_4 : i32
    %scan3A_6 = arith.constant 1 : i32
    scf.for %scan3A_8 = %scan3A_3 to %scan3A_5 step %scan3A_6  : i32 {
      %mul3A_9 = arith.constant 16 : i32
      %mul3A_10 = arith.muli %scan3A_8, %mul3A_9 : i32
      %get3A = arith.constant 0 : i32
      %get3A_11 = arith.index_cast %get3A : i32 to index
      %get3A_12 = arith.index_cast %mul3A_10 : i32 to index
      %get3A_13 = tpu.vector_load %arg5[%get3A_11, %get3A_12] {strides = array<i32>} : memref<8x512xf32, #tpu.memory_space<vmem>>, vector<16xf32>,
      %get3A_14 = arith.constant 1 : i32
      %get3A_15 = arith.index_cast %get3A_14 : i32 to index
      %get3A_16 = arith.index_cast %mul3A_10 : i32 to index
      %get3A_17 = tpu.vector_load %arg5[%get3A_15, %get3A_16] {strides = array<i32>} : memref<8x512xf32, #tpu.memory_space<vmem>>, vector<16xf32>,
      %get3A_18 = arith.constant 2 : i32
      %get3A_19 = arith.index_cast %get3A_18 : i32 to index
      %get3A_20 = arith.index_cast %mul3A_10 : i32 to index
      %get3A_21 = tpu.vector_load %arg5[%get3A_19, %get3A_20] {strides = array<i32>} : memref<8x512xf32, #tpu.memory_space<vmem>>, vector<16xf32>,
      %get3A_22 = arith.constant 3 : i32
      %get3A_23 = arith.index_cast %get3A_22 : i32 to index
      %get3A_24 = arith.index_cast %mul3A_10 : i32 to index
      %get3A_25 = tpu.vector_load %arg5[%get3A_23, %get3A_24] {strides = array<i32>} : memref<8x512xf32, #tpu.memory_space<vmem>>, vector<16xf32>,
      %get3A_26 = arith.constant 4 : i32
      %get3A_27 = arith.index_cast %get3A_26 : i32 to index
      %get3A_28 = arith.index_cast %mul3A_10 : i32 to index
      %get3A_29 = tpu.vector_load %arg5[%get3A_27, %get3A_28] {strides = array<i32>} : memref<8x512xf32, #tpu.memory_space<vmem>>, vector<16xf32>,
      %get3A_30 = arith.constant 5 : i32
      %get3A_31 = arith.index_cast %get3A_30 : i32 to index
      %get3A_32 = arith.index_cast %mul3A_10 : i32 to index
      %get3A_33 = tpu.vector_load %arg5[%get3A_31, %get3A_32] {strides = array<i32>} : memref<8x512xf32, #tpu.memory_space<vmem>>, vector<16xf32>,
      %get3A_34 = arith.constant 6 : i32
      %get3A_35 = arith.index_cast %get3A_34 : i32 to index
      %get3A_36 = arith.index_cast %mul3A_10 : i32 to index
      %get3A_37 = tpu.vector_load %arg5[%get3A_35, %get3A_36] {strides = array<i32>} : memref<8x512xf32, #tpu.memory_space<vmem>>, vector<16xf32>,
      %get3A_38 = arith.constant 7 : i32
      %get3A_39 = arith.index_cast %get3A_38 : i32 to index
      %get3A_40 = arith.index_cast %mul3A_10 : i32 to index
      %get3A_41 = tpu.vector_load %arg5[%get3A_39, %get3A_40] {strides = array<i32>} : memref<8x512xf32, #tpu.memory_space<vmem>>, vector<16xf32>,
      %max3A = arith.maximumf %get3A_13, %get3A_17 : vector<16xf32>
      %max3A_42 = arith.maximumf %max3A, %get3A_21 : vector<16xf32>
      %max3A_43 = arith.maximumf %max3A_42, %get3A_25 : vector<16xf32>
      %max3A_44 = arith.maximumf %max3A_43, %get3A_29 : vector<16xf32>
      %max3A_45 = arith.maximumf %max3A_44, %get3A_33 : vector<16xf32>
      %max3A_46 = arith.maximumf %max3A_45, %get3A_37 : vector<16xf32>
      %max3A_47 = arith.maximumf %max3A_46, %get3A_41 : vector<16xf32>
      %broadcast_in_dim3A = arith.constant 7 : i32
      %broadcast_in_dim3A_48 = vector.broadcast %broadcast_in_dim3A : i32 to vector<16xi32>
      %eq3A = arith.cmpf oeq, %get3A_37, %max3A_47 : vector<16xf32>
      %jit3A = arith.constant 6 : i32
      %broadcast_in_dim3A_49 = vector.broadcast %jit3A : i32 to vector<16xi32>
      %select_n3A = arith.select %eq3A, %broadcast_in_dim3A_49, %broadcast_in_dim3A_48 : vector<16xi1>, vector<16xi32>
      %eq3A_50 = arith.cmpf oeq, %get3A_33, %max3A_47 : vector<16xf32>
      %jit3A_51 = arith.constant 5 : i32
      %broadcast_in_dim3A_52 = vector.broadcast %jit3A_51 : i32 to vector<16xi32>
      %select_n3A_53 = arith.select %eq3A_50, %broadcast_in_dim3A_52, %select_n3A : vector<16xi1>, vector<16xi32>
      %eq3A_54 = arith.cmpf oeq, %get3A_29, %max3A_47 : vector<16xf32>
      %jit3A_55 = arith.constant 4 : i32
      %broadcast_in_dim3A_56 = vector.broadcast %jit3A_55 : i32 to vector<16xi32>
      %select_n3A_57 = arith.select %eq3A_54, %broadcast_in_dim3A_56, %select_n3A_53 : vector<16xi1>, vector<16xi32>
      %eq3A_58 = arith.cmpf oeq, %get3A_25, %max3A_47 : vector<16xf32>
      %jit3A_59 = arith.constant 3 : i32
      %broadcast_in_dim3A_60 = vector.broadcast %jit3A_59 : i32 to vector<16xi32>
      %select_n3A_61 = arith.select %eq3A_58, %broadcast_in_dim3A_60, %select_n3A_57 : vector<16xi1>, vector<16xi32>
      %eq3A_62 = arith.cmpf oeq, %get3A_21, %max3A_47 : vector<16xf32>
      %jit3A_63 = arith.constant 2 : i32
      %broadcast_in_dim3A_64 = vector.broadcast %jit3A_63 : i32 to vector<16xi32>
      %select_n3A_65 = arith.select %eq3A_62, %broadcast_in_dim3A_64, %select_n3A_61 : vector<16xi1>, vector<16xi32>
      %eq3A_66 = arith.cmpf oeq, %get3A_17, %max3A_47 : vector<16xf32>
      %jit3A_67 = arith.constant 1 : i32
      %broadcast_in_dim3A_68 = vector.broadcast %jit3A_67 : i32 to vector<16xi32>
      %select_n3A_69 = arith.select %eq3A_66, %broadcast_in_dim3A_68, %select_n3A_65 : vector<16xi1>, vector<16xi32>
      %eq3A_70 = arith.cmpf oeq, %get3A_13, %max3A_47 : vector<16xf32>
      %jit3A_71 = arith.constant 0 : i32
      %broadcast_in_dim3A_72 = vector.broadcast %jit3A_71 : i32 to vector<16xi32>
      %select_n3A_73 = arith.select %eq3A_70, %broadcast_in_dim3A_72, %select_n3A_69 : vector<16xi1>, vector<16xi32>
      %eq3A_74 = arith.constant 0 : i32
      %eq3A_75 = vector.broadcast %eq3A_74 : i32 to vector<16xi32>
      %eq3A_76 = arith.cmpi eq, %select_n3A_73, %eq3A_75 : vector<16xi32>
      %jit3A_77 = arith.constant -1.000000e+00 : f32
      %broadcast_in_dim3A_78 = vector.broadcast %jit3A_77 : f32 to vector<16xf32>
      %select_n3A_79 = arith.select %eq3A_76, %broadcast_in_dim3A_78, %get3A_13 : vector<16xi1>, vector<16xf32>
      %eq3A_80 = arith.constant 1 : i32
      %eq3A_81 = vector.broadcast %eq3A_80 : i32 to vector<16xi32>
      %eq3A_82 = arith.cmpi eq, %select_n3A_73, %eq3A_81 : vector<16xi32>
      %jit3A_83 = arith.constant -1.000000e+00 : f32
      %broadcast_in_dim3A_84 = vector.broadcast %jit3A_83 : f32 to vector<16xf32>
      %select_n3A_85 = arith.select %eq3A_82, %broadcast_in_dim3A_84, %get3A_17 : vector<16xi1>, vector<16xf32>
      %eq3A_86 = arith.constant 2 : i32
      %eq3A_87 = vector.broadcast %eq3A_86 : i32 to vector<16xi32>
      %eq3A_88 = arith.cmpi eq, %select_n3A_73, %eq3A_87 : vector<16xi32>
      %jit3A_89 = arith.constant -1.000000e+00 : f32
      %broadcast_in_dim3A_90 = vector.broadcast %jit3A_89 : f32 to vector<16xf32>
      %select_n3A_91 = arith.select %eq3A_88, %broadcast_in_dim3A_90, %get3A_21 : vector<16xi1>, vector<16xf32>
      %eq3A_92 = arith.constant 3 : i32
      %eq3A_93 = vector.broadcast %eq3A_92 : i32 to vector<16xi32>
      %eq3A_94 = arith.cmpi eq, %select_n3A_73, %eq3A_93 : vector<16xi32>
      %jit3A_95 = arith.constant -1.000000e+00 : f32
      %broadcast_in_dim3A_96 = vector.broadcast %jit3A_95 : f32 to vector<16xf32>
      %select_n3A_97 = arith.select %eq3A_94, %broadcast_in_dim3A_96, %get3A_25 : vector<16xi1>, vector<16xf32>
      %eq3A_98 = arith.constant 4 : i32
      %eq3A_99 = vector.broadcast %eq3A_98 : i32 to vector<16xi32>
      %eq3A_100 = arith.cmpi eq, %select_n3A_73, %eq3A_99 : vector<16xi32>
      %jit3A_101 = arith.constant -1.000000e+00 : f32
      %broadcast_in_dim3A_102 = vector.broadcast %jit3A_101 : f32 to vector<16xf32>
      %select_n3A_103 = arith.select %eq3A_100, %broadcast_in_dim3A_102, %get3A_29 : vector<16xi1>, vector<16xf32>
      %eq3A_104 = arith.constant 5 : i32
      %eq3A_105 = vector.broadcast %eq3A_104 : i32 to vector<16xi32>
      %eq3A_106 = arith.cmpi eq, %select_n3A_73, %eq3A_105 : vector<16xi32>
      %jit3A_107 = arith.constant -1.000000e+00 : f32
      %broadcast_in_dim3A_108 = vector.broadcast %jit3A_107 : f32 to vector<16xf32>
      %select_n3A_109 = arith.select %eq3A_106, %broadcast_in_dim3A_108, %get3A_33 : vector<16xi1>, vector<16xf32>
      %eq3A_110 = arith.constant 6 : i32
      %eq3A_111 = vector.broadcast %eq3A_110 : i32 to vector<16xi32>
      %eq3A_112 = arith.cmpi eq, %select_n3A_73, %eq3A_111 : vector<16xi32>
      %jit3A_113 = arith.constant -1.000000e+00 : f32
      %broadcast_in_dim3A_114 = vector.broadcast %jit3A_113 : f32 to vector<16xf32>
      %select_n3A_115 = arith.select %eq3A_112, %broadcast_in_dim3A_114, %get3A_37 : vector<16xi1>, vector<16xf32>
      %eq3A_116 = arith.constant 7 : i32
      %eq3A_117 = vector.broadcast %eq3A_116 : i32 to vector<16xi32>
      %eq3A_118 = arith.cmpi eq, %select_n3A_73, %eq3A_117 : vector<16xi32>
      %jit3A_119 = arith.constant -1.000000e+00 : f32
      %broadcast_in_dim3A_120 = vector.broadcast %jit3A_119 : f32 to vector<16xf32>
      %select_n3A_121 = arith.select %eq3A_118, %broadcast_in_dim3A_120, %get3A_41 : vector<16xi1>, vector<16xf32>
      %max3A_122 = arith.maximumf %select_n3A_79, %select_n3A_85 : vector<16xf32>
      %max3A_123 = arith.maximumf %max3A_122, %select_n3A_91 : vector<16xf32>
      %max3A_124 = arith.maximumf %max3A_123, %select_n3A_97 : vector<16xf32>
      %max3A_125 = arith.maximumf %max3A_124, %select_n3A_103 : vector<16xf32>
      %max3A_126 = arith.maximumf %max3A_125, %select_n3A_109 : vector<16xf32>
      %max3A_127 = arith.maximumf %max3A_126, %select_n3A_115 : vector<16xf32>
      %max3A_128 = arith.maximumf %max3A_127, %select_n3A_121 : vector<16xf32>
      %broadcast_in_dim3A_129 = arith.constant 7 : i32
      %broadcast_in_dim3A_130 = vector.broadcast %broadcast_in_dim3A_129 : i32 to vector<16xi32>
      %eq3A_131 = arith.cmpf oeq, %select_n3A_115, %max3A_128 : vector<16xf32>
      %jit3A_132 = arith.constant 6 : i32
      %broadcast_in_dim3A_133 = vector.broadcast %jit3A_132 : i32 to vector<16xi32>
      %select_n3A_134 = arith.select %eq3A_131, %broadcast_in_dim3A_133, %broadcast_in_dim3A_130 : vector<16xi1>, vector<16xi32>
      %eq3A_135 = arith.cmpf oeq, %select_n3A_109, %max3A_128 : vector<16xf32>
      %jit3A_136 = arith.constant 5 : i32
      %broadcast_in_dim3A_137 = vector.broadcast %jit3A_136 : i32 to vector<16xi32>
      %select_n3A_138 = arith.select %eq3A_135, %broadcast_in_dim3A_137, %select_n3A_134 : vector<16xi1>, vector<16xi32>
      %eq3A_139 = arith.cmpf oeq, %select_n3A_103, %max3A_128 : vector<16xf32>
      %jit3A_140 = arith.constant 4 : i32
      %broadcast_in_dim3A_141 = vector.broadcast %jit3A_140 : i32 to vector<16xi32>
      %select_n3A_142 = arith.select %eq3A_139, %broadcast_in_dim3A_141, %select_n3A_138 : vector<16xi1>, vector<16xi32>
      %eq3A_143 = arith.cmpf oeq, %select_n3A_97, %max3A_128 : vector<16xf32>
      %jit3A_144 = arith.constant 3 : i32
      %broadcast_in_dim3A_145 = vector.broadcast %jit3A_144 : i32 to vector<16xi32>
      %select_n3A_146 = arith.select %eq3A_143, %broadcast_in_dim3A_145, %select_n3A_142 : vector<16xi1>, vector<16xi32>
      %eq3A_147 = arith.cmpf oeq, %select_n3A_91, %max3A_128 : vector<16xf32>
      %jit3A_148 = arith.constant 2 : i32
      %broadcast_in_dim3A_149 = vector.broadcast %jit3A_148 : i32 to vector<16xi32>
      %select_n3A_150 = arith.select %eq3A_147, %broadcast_in_dim3A_149, %select_n3A_146 : vector<16xi1>, vector<16xi32>
      %eq3A_151 = arith.cmpf oeq, %select_n3A_85, %max3A_128 : vector<16xf32>
      %jit3A_152 = arith.constant 1 : i32
      %broadcast_in_dim3A_153 = vector.broadcast %jit3A_152 : i32 to vector<16xi32>
      %select_n3A_154 = arith.select %eq3A_151, %broadcast_in_dim3A_153, %select_n3A_150 : vector<16xi1>, vector<16xi32>
      %eq3A_155 = arith.cmpf oeq, %select_n3A_79, %max3A_128 : vector<16xf32>
      %jit3A_156 = arith.constant 0 : i32
      %broadcast_in_dim3A_157 = vector.broadcast %jit3A_156 : i32 to vector<16xi32>
      %select_n3A_158 = arith.select %eq3A_155, %broadcast_in_dim3A_157, %select_n3A_154 : vector<16xi1>, vector<16xi32>
      %add3A_159 = arith.addf %max3A_47, %max3A_128 : vector<16xf32>
      %add3A_160 = arith.constant 9.99999997E-7 : f32
      %add3A_161 = vector.broadcast %add3A_160 : f32 to vector<16xf32>
      %add3A_162 = arith.addf %add3A_159, %add3A_161 : vector<16xf32>
      %div3A = arith.divf %max3A_47, %add3A_162 : vector<16xf32>
      %swap3A = arith.constant 0 : i32
      %swap3A_163 = arith.index_cast %swap3A : i32 to index
      %swap3A_164 = arith.index_cast %mul3A_10 : i32 to index
      %swap3A_165 = tpu.vector_load %arg6[%swap3A_163, %swap3A_164] {strides = array<i32>} : memref<2x512xf32, #tpu.memory_space<vmem>>, vector<16xf32>,
      tpu.vector_store %arg6[%swap3A_163, %swap3A_164], %div3A {strides = array<i32>} : memref<2x512xf32, #tpu.memory_space<vmem>>, vector<16xf32>,
      %div3A_166 = arith.divf %max3A_128, %add3A_162 : vector<16xf32>
      %swap3A_167 = arith.constant 1 : i32
      %swap3A_168 = arith.index_cast %swap3A_167 : i32 to index
      %swap3A_169 = arith.index_cast %mul3A_10 : i32 to index
      %swap3A_170 = tpu.vector_load %arg6[%swap3A_168, %swap3A_169] {strides = array<i32>} : memref<2x512xf32, #tpu.memory_space<vmem>>, vector<16xf32>,
      tpu.vector_store %arg6[%swap3A_168, %swap3A_169], %div3A_166 {strides = array<i32>} : memref<2x512xf32, #tpu.memory_space<vmem>>, vector<16xf32>,
      %swap3A_171 = arith.constant 0 : i32
      %swap3A_172 = arith.index_cast %swap3A_171 : i32 to index
      %swap3A_173 = arith.index_cast %mul3A_10 : i32 to index
      %swap3A_174 = tpu.vector_load %arg7[%swap3A_172, %swap3A_173] {strides = array<i32>} : memref<2x512xi32, #tpu.memory_space<vmem>>, vector<16xi32>,
      tpu.vector_store %arg7[%swap3A_172, %swap3A_173], %select_n3A_73 {strides = array<i32>} : memref<2x512xi32, #tpu.memory_space<vmem>>, vector<16xi32>,
      %swap3A_175 = arith.constant 1 : i32
      %swap3A_176 = arith.index_cast %swap3A_175 : i32 to index
      %swap3A_177 = arith.index_cast %mul3A_10 : i32 to index
      %swap3A_178 = tpu.vector_load %arg7[%swap3A_176, %swap3A_177] {strides = array<i32>} : memref<2x512xi32, #tpu.memory_space<vmem>>, vector<16xi32>,
      tpu.vector_store %arg7[%swap3A_176, %swap3A_177], %select_n3A_158 {strides = array<i32>} : memref<2x512xi32, #tpu.memory_space<vmem>>, vector<16xi32>,
    }
    %scan3A_7 = arith.constant 32 : i32
    "tpu.region"() ({
      %run_scoped3A = tpu.sem_alloc : memref<!tpu.dma_semaphore, #tpu.memory_space<semaphore_mem>>
      %dma_start3A = arith.constant 0 : i32
      %dma_start3A_8 = tpu.memref_slice %arg3[%dma_start3A, %mul3A_2] : memref<2x16384xf32, #tpu.memory_space<hbm>> -> memref<2x512xf32, #tpu.memory_space<hbm>>
      %dma_start3A_9 = arith.constant 0 : i32
      %dma_start3A_10 = tpu.memref_slice %arg3[%dma_start3A_9, %mul3A_2] : memref<2x16384xf32, #tpu.memory_space<hbm>> -> memref<2x512xf32, #tpu.memory_space<hbm>>
      tpu.enqueue_dma source(%arg6 : memref<2x512xf32, #tpu.memory_space<vmem>>) target(%dma_start3A_10 : memref<2x512xf32, #tpu.memory_space<hbm>>) target_semaphore(%run_scoped3A : memref<!tpu.dma_semaphore, #tpu.memory_space<semaphore_mem>>)
      %dma_wait3A = arith.constant 0 : i32
      %dma_wait3A_11 = tpu.memref_slice %arg3[%dma_wait3A, %mul3A_2] : memref<2x16384xf32, #tpu.memory_space<hbm>> -> memref<2x512xf32, #tpu.memory_space<hbm>>
      %dma_wait3A_12 = arith.constant 0 : i32
      %dma_wait3A_13 = tpu.memref_slice %arg3[%dma_wait3A_12, %mul3A_2] : memref<2x16384xf32, #tpu.memory_space<hbm>> -> memref<2x512xf32, #tpu.memory_space<hbm>>
      tpu.wait_dma2 semaphore(%run_scoped3A : memref<!tpu.dma_semaphore, #tpu.memory_space<semaphore_mem>>) src(%arg6 : memref<2x512xf32, #tpu.memory_space<vmem>>) dst(%dma_wait3A_13 : memref<2x512xf32, #tpu.memory_space<hbm>>)
      tpu.yield
    }) : () -> ()
    "tpu.region"() ({
      %run_scoped3A = tpu.sem_alloc : memref<!tpu.dma_semaphore, #tpu.memory_space<semaphore_mem>>
      %dma_start3A = arith.constant 0 : i32
      %dma_start3A_8 = tpu.memref_slice %arg4[%dma_start3A, %mul3A_2] : memref<2x16384xi32, #tpu.memory_space<hbm>> -> memref<2x512xi32, #tpu.memory_space<hbm>>
      %dma_start3A_9 = arith.constant 0 : i32
      %dma_start3A_10 = tpu.memref_slice %arg4[%dma_start3A_9, %mul3A_2] : memref<2x16384xi32, #tpu.memory_space<hbm>> -> memref<2x512xi32, #tpu.memory_space<hbm>>
      tpu.enqueue_dma source(%arg7 : memref<2x512xi32, #tpu.memory_space<vmem>>) target(%dma_start3A_10 : memref<2x512xi32, #tpu.memory_space<hbm>>) target_semaphore(%run_scoped3A : memref<!tpu.dma_semaphore, #tpu.memory_space<semaphore_mem>>)
      %dma_wait3A = arith.constant 0 : i32
      %dma_wait3A_11 = tpu.memref_slice %arg4[%dma_wait3A, %mul3A_2] : memref<2x16384xi32, #tpu.memory_space<hbm>> -> memref<2x512xi32, #tpu.memory_space<hbm>>
      %dma_wait3A_12 = arith.constant 0 : i32
      %dma_wait3A_13 = tpu.memref_slice %arg4[%dma_wait3A_12, %mul3A_2] : memref<2x16384xi32, #tpu.memory_space<hbm>> -> memref<2x512xi32, #tpu.memory_space<hbm>>
      tpu.wait_dma2 semaphore(%run_scoped3A : memref<!tpu.dma_semaphore, #tpu.memory_space<semaphore_mem>>) src(%arg7 : memref<2x512xi32, #tpu.memory_space<vmem>>) dst(%dma_wait3A_13 : memref<2x512xi32, #tpu.memory_space<hbm>>)
      tpu.yield
    }) : () -> ()
    return
  }
}

module attributes {stable_mosaic.version = 14 : i64} {
  func.func @_scores_block(%arg0: i32, %arg1: memref<8x2048xf32, #tpu.memory_space<vmem>>, %arg2: memref<1024x2048xf32, #tpu.memory_space<vmem>>, %arg3: memref<8x1024xf32, #tpu.memory_space<vmem>>) attributes {dimension_semantics = [#tpu.dimension_semantics<arbitrary>], iteration_bounds = array<i64: 16>, scalar_prefetch = 0 : i64, scratch_operands = 0 : i64, tpu.core_type = #tpu.core_type<tc>, window_params = [{pipeline_mode = #tpu.pipeline_mode<synchronous>, transform_indices = @transform_0, window_bounds = array<i64: 8, 2048>}, {transform_indices = @transform_1, window_bounds = array<i64: 1024, 2048>}, {transform_indices = @transform_2, window_bounds = array<i64: 8, 1024>}]} {
    %get3A = arith.constant 0 : index
    %get3A_0 = arith.constant 0 : index
    %get3A_1 = vector.load %arg1[%get3A, %get3A_0] : memref<8x2048xf32, #tpu.memory_space<vmem>>, vector<8x2048xf32>
    %get3A_2 = arith.constant 0 : index
    %get3A_3 = arith.constant 0 : index
    %get3A_4 = vector.load %arg2[%get3A_2, %get3A_3] : memref<1024x2048xf32, #tpu.memory_space<vmem>>, vector<1024x2048xf32>
    %dot_general3A = arith.constant dense<0.000000e+00> : vector<8x1024xf32>
    %dot_general3A_5 = tpu.matmul %get3A_1, %get3A_4, %dot_general3A {dimension_numbers = #tpu.dot_dimension_numbers<[1], [1], [0], [0], [0, 0, 1, 0], [], []>, transpose_lhs_hint = false} : vector<8x2048xf32>, vector<1024x2048xf32>, vector<8x1024xf32> -> vector<8x1024xf32>
    %logistic3A = arith.negf %dot_general3A_5 : vector<8x1024xf32>
    %logistic3A_6 = math.exp %logistic3A : vector<8x1024xf32>
    %logistic3A_7 = arith.constant 1.000000e+00 : f32
    %logistic3A_8 = vector.broadcast %logistic3A_7 : f32 to vector<8x1024xf32>
    %logistic3A_9 = arith.addf %logistic3A_8, %logistic3A_6 : vector<8x1024xf32>
    %logistic3A_10 = arith.divf %logistic3A_8, %logistic3A_9 : vector<8x1024xf32>
    %swap3A = arith.constant 0 : index
    %swap3A_11 = arith.constant 0 : index
    %swap3A_12 = vector.load %arg3[%swap3A, %swap3A_11] : memref<8x1024xf32, #tpu.memory_space<vmem>>, vector<8x1024xf32>
    tpu.vector_store %arg3[%swap3A, %swap3A_11], %logistic3A_10 {strides = array<i32>} : memref<8x1024xf32, #tpu.memory_space<vmem>>, vector<8x1024xf32>,
    return
  }
  func.func @transform_0(%arg0: i32) -> (i32, i32) {
    %c0_i32 = arith.constant 0 : i32
    %c0_i32_0 = arith.constant 0 : i32
    %c0_i32_1 = arith.constant 0 : i32
    return %c0_i32, %c0_i32_0 : i32, i32
  }
  func.func @transform_1(%arg0: i32) -> (i32, i32) {
    %c0_i32 = arith.constant 0 : i32
    %c0_i32_0 = arith.constant 0 : i32
    return %arg0, %c0_i32 : i32, i32
  }
  func.func @transform_2(%arg0: i32) -> (i32, i32) {
    %c0_i32 = arith.constant 0 : i32
    %c0_i32_0 = arith.constant 0 : i32
    return %c0_i32, %arg0 : i32, i32
  }
}

</mosaic_0001>

<sc_bundles>
// kernel: kernel.4.cloned.1.call-start
scs
__scs_entry_jumppad:
0x0: {  	(pc) =	sbr.rel $0x88, $3  }
0x1: {  	(tag) =	ssettag $0x0;
	lr =	simm.s32 $0x1  }
0x2: {  	[smem:$0x3F9F] =	sst lr;
	_ =	strace $0xD0000000  }
0x3: {  	_ = 	snop  }
0x4: {  	_ = 	snop  }
0x5: {  	_ = 	snop  }
0x6: {  	_ = 	snop  }
0x7: {  	_ = 	snop  }
__scs_overlays_trampoline_lowered:
0x8: {  	[smem:$0x3FAE] =	sst s0  }
0x9: {  	[smem:$0x3FAF] =	sst s1  }
0xa: {  	[smem:$0x3FB0] =	sst s2  }
0xb: {  	[smem:$0x3FB1] =	sst s3  }
0xc: {  	[smem:$0x3FB2] =	sst s4  }
0xd: {  	[smem:$0x3FB3] =	sst s5  }
0xe: {  	[smem:$0x3FB4] =	sst s6  }
0xf: {  	[smem:$0x3FB5] =	sst s7  }
0x10: {  	[smem:$0x3FB6] =	sst s8  }
0x11: {  	[smem:$0x3FB7] =	sst s9;
	s0 =	simm.s32 @!p0 $0x0  }
0x12: {  	s1 =	sld [smem:$0x3F9D];
	s0 =	simm.s32 @p0 $0x1  }
0x13: {  	[smem:$0x3FB8] =	sst s0;
	s0 =	simm.s32 @!p1 $0x0  }
0x14: {  	s2 =	sld [smem:$0x3F9C];
	s0 =	simm.s32 @p1 $0x1  }
0x15: {  	[smem:$0x3FB9] =	sst s0;
	s0 =	simm.s32 @!p2 $0x0  }
0x16: {  	s3 =	sld [smem:$0x3FDB];
	s0 =	simm.s32 @p2 $0x1  }
0x17: {  	s4 =	simm.s32 $0x1BF5;
	[smem:$0x3FBB] =	sst s0  }
0x18: {  	s0 =	sld [smem:$0x3F9E];
	_ =	swait.ge [sflag:s4], $0x0  }
0x19: {  	s7 =	sld [smem:$0x3F9F]  }
0x1a: {  	s8 =	sadd.s32 $0xFFFFE003, lr  }
0x1b: {  	s9 =	sadd.s32 $0xFFFFFEF7, lr;
	s5 =	simm.s32 $0xFFFFFFFF;
	p2 =	slt.u32 s8, $0xFFFFF086  }
0x1c: {  	p1 =	slt.u32 s9, $0xF7A;
	s5 =	simm.s32 @!p2 $0x0  }
0x1d: {  	s5 =	simm.s32 @p1 $0x1;
	p0 =	seq.s32 s7, s2  }
0x1e: {  	s7 =	smul.u32 @!p0 $0xF7A, s2;
	p2 =	seq.s32 @!p0 s5, $0x0  }
0x1f: {  	s9 =	smul.u32 $0xF7A, s1;
	s8 =	simm.s32 @!p0 $0x1BF5;
	p2 =	por !p2, p0  }
0x20: {  	[sflag:s8] =	ssyncset.s32 @!p0 $0xFFFFF086;
	s6 =	sadd.s32 @!p0 s3, s7;
	s7 =	simm.s32 @!p0 $0x108  }
0x21: {  	s3 =	sadd.s32 s3, s9;
	s6 =	sadd.s32 @!p0 $0x88, s6;
	s7 =	simm.s32 @p2 $0x1082  }
0x22: {  	[simem:s7], [sflag:s8] =	dma.local @!p0 [hbm:s6], $0xF7A  }
0x23: {  	s9 =	sor.u32 $0xD0000000, s2;
	s6 =	simm.s32 $0x108;
	_ =	swait.ge @!p0 [sflag:s8], $0x0  }
0x24: {  	s3 =	sadd.s32 $0x88, s3;
	s6 =	simm.s32 @!p1 $0x1082;
	[sflag:s4] =	ssyncset.s32 $0xFFFFF086  }
0x25: {  	[simem:s6], [sflag:s4] =	dma.local [hbm:s3], $0xF7A  }
0x26: {  	[smem:$0x3F9F] =	sst s1;
	(tag) =	ssettag s2;
	_ =	strace s9  }
0x27: {  	s1 =	sld [smem:$0x3FAF]  }
0x28: {  	s2 =	sld [smem:$0x3FB0]  }
0x29: {  	s4 =	sld [smem:$0x3FB2]  }
0x2a: {  	p0 =	seq.s32 s5, $0x0;
	s5 =	sld [smem:$0x3FB3]  }
0x2b: {  	s6 =	sld [smem:$0x3FB4]  }
0x2c: {  	s7 =	sld [smem:$0x3FB5]  }
0x2d: {  	s3 =	simm.s32 $0x108;
	s8 =	sld [smem:$0x3FB6]  }
0x2e: {  	s3 =	simm.s32 @!p0 $0x1082;
	s9 =	sld [smem:$0x3FB7]  }
0x2f: {  	lr =	sadd.s32 s0, s3;
	s0 =	sld [smem:$0x3FAE]  }
0x30: {  	s3 =	sld [smem:$0x3FB1]  }
0x31: {  	[smem:$0x3FBA] =	sst s10  }
0x32: {  	s10 =	sld [smem:$0x3FB8];
	_ =	sdelay $0x3  }
0x33: {  	p0 =	seq.s32 s10, $0x1;
	s10 =	sld [smem:$0x3FBA];
	_ =	sdelay $0x3  }
0x34: {  	[smem:$0x3FBA] =	sst s10  }
0x35: {  	s10 =	sld [smem:$0x3FB9];
	_ =	sdelay $0x3  }
0x36: {  	p1 =	seq.s32 s10, $0x1;
	s10 =	sld [smem:$0x3FBA];
	_ =	sdelay $0x3  }
0x37: {  	[smem:$0x3FBA] =	sst s10  }
0x38: {  	s10 =	sld [smem:$0x3FBB]  }
0x39: {  	_ = 	snop;
	(pc) =	sbr.ind lr, $3  }
0x3a: {  	_ = 	snop  }
0x3b: {  	_ = 	snop  }
0x3c: {  	p2 =	seq.s32 s10, $0x1;
	s10 =	sld [smem:$0x3FBA]  }
0x3d: {  	_ =	shalt  }
0x3e: {  	_ =	shalt  }
0x3f: {  	_ =	shalt  }
0x40: {  	_ =	shalt  }
0x41: {  	_ =	shalt  }
0x42: {  	_ =	shalt  }
0x43: {  	_ =	shalt  }
0x44: {  	_ =	shalt  }
0x45: {  	_ =	shalt  }
0x46: {  	_ =	shalt  }
0x47: {  	_ =	shalt  }
0x48: {  	_ =	shalt  }
0x49: {  	_ =	shalt  }
0x4a: {  	_ =	shalt  }
0x4b: {  	_ =	shalt  }
0x4c: {  	_ =	shalt  }
0x4d: {  	_ =	shalt  }
0x4e: {  	_ =	shalt  }
0x4f: {  	_ =	shalt  }
0x50: {  	_ =	shalt  }
0x51: {  	_ =	shalt  }
0x52: {  	_ =	shalt  }
0x53: {  	_ =	shalt  }
0x54: {  	_ =	shalt  }
0x55: {  	_ =	shalt  }
0x56: {  	_ =	shalt  }
0x57: {  	_ =	shalt  }
0x58: {  	_ =	shalt  }
0x59: {  	_ =	shalt  }
0x5a: {  	_ =	shalt  }
0x5b: {  	_ =	shalt  }
0x5c: {  	_ =	shalt  }
0x5d: {  	_ =	shalt  }
0x5e: {  	_ =	shalt  }
0x5f: {  	_ =	shalt  }
0x60: {  	_ =	shalt  }
0x61: {  	_ =	shalt  }
0x62: {  	_ =	shalt  }
0x63: {  	_ =	shalt  }
0x64: {  	_ =	shalt  }
0x65: {  	_ =	shalt  }
0x66: {  	_ =	shalt  }
0x67: {  	_ =	shalt  }
0x68: {  	_ =	shalt  }
0x69: {  	_ =	shalt  }
0x6a: {  	_ =	shalt  }
0x6b: {  	_ =	shalt  }
0x6c: {  	_ =	shalt  }
0x6d: {  	_ =	shalt  }
0x6e: {  	_ =	shalt  }
0x6f: {  	_ =	shalt  }
0x70: {  	_ =	shalt  }
0x71: {  	_ =	shalt  }
0x72: {  	_ =	shalt  }
0x73: {  	_ =	shalt  }
0x74: {  	_ =	shalt  }
0x75: {  	_ =	shalt  }
0x76: {  	_ =	shalt  }
0x77: {  	_ =	shalt  }
0x78: {  	_ =	shalt  }
0x79: {  	_ =	shalt  }
0x7a: {  	_ =	shalt  }
0x7b: {  	_ =	shalt  }
0x7c: {  	_ =	shalt  }
0x7d: {  	_ =	shalt  }
0x7e: {  	_ =	shalt  }
0x7f: {  	_ =	shalt  }
0x80: {  	_ =	shalt  }
0x81: {  	_ =	shalt  }
0x82: {  	_ =	shalt  }
0x83: {  	_ =	shalt  }
0x84: {  	_ =	shalt  }
0x85: {  	_ =	shalt  }
0x86: {  	_ =	shalt  }
0x87: {  	_ =	shalt  }
.Lfunc_end0:
.L_simem_size_0:
called_computation_lowered:
.L_overlay_start_0:
0x88: {  	s2 =	sld [smem:$0x3FD9]  }
0x89: {  	s3 =	sld [smem:$0x3FFE];
	_ =	sdelay $0x1  }
0x8a: {  	s1 =	srdreg.scid  }
0x8b: {  	s0 =	sand.u32 $0x1, s1  }
0x8c: {  	s15 =	sshll.u32 s0, $0xA;
	s2 =	sadd.s32 s3, s2  }
0x8d: {  	s2 =	sadd.s32 s2, s15  }
0x8e: {  	[smem:$0x3FC6] =	sst s2  }
0x8f: {  	_ = 	snop  }
0x90: {  	s2 =	sld [smem:$0x3FD0];
	_ =	sdelay $0x2  }
0x91: {  	s16 =	simm.s32 $0xA;
	s4 =	simm.s32 $0x10  }
0x92: {  	[smem:s4], [sflag:s16] =	dma.local [hbm:s2], $0x1  }
0x93: {  	_ =	swait.eq [sflag:s16], $0x1  }
0x94: {  	s17 =	sld [smem:$0x10];
	[sflag:s16] =	ssyncset.done $0x0  }
0x95: {  	s18 =	sld [smem:$0x11];
	[sflag:s16] =	ssyncadd.s32 $0xFFFFFFFF  }
0x96: {  	s19 =	sld [smem:$0x12];
	(tm) =	ssettm $0x1  }
0x97: {  	s5 =	sld [smem:$0x3FFB];
	_ =	sdelay $0x3  }
0x98: {  	_ =	strace s5  }
0x99: {  	s5 =	sld [smem:$0x3FFC];
	_ =	sdelay $0x3  }
0x9a: {  	_ =	strace s5  }
0x9b: {  	s5 =	sld [smem:$0x3FFD];
	_ =	sdelay $0x3  }
0x9c: {  	_ =	strace s5  }
0x9d: {  	_ =	strace $0x8FFFFFFF  }
0x9e: {  	s20 =	sld [smem:$0x3FDB];
	_ =	sdelay $0x1  }
0x9f: {  	s6 =	simm.s32 $_scs_section_size  }
0xa0: {  	s7 =	simm.s32 $_size__tile_overlayer_lowered;
	s8 =	simm.s32 $_tile_overlayer_lowered  }
0xa1: {  	s23 =	simm.s32 $0x1BFF;
	s22 =	sshll.u32 s8, $0x1;
	s5 =	sadd.s32 s6, s20  }
0xa2: {  	s9 =	simm.s32 $0x0;
	s21 =	sshll.u32 s7, $0x1;
	s7 =	sadd.s32 s22, s5  }
0xa3: {  	[timem:s9], [sflag:s23] =	dma.local [hbm:s7], s21  }
0xa4: {  	_ =	swait.ge [sflag:s23], s21  }
0xa5: {  	s6 =	ssub.s32 $0x0, s21;
	[sflag:s23] =	ssyncset.done $0x0  }
0xa6: {  	[sflag:s23] =	ssyncadd.s32 s6;
	_ =	sdelay $0x1  }
0xa7: {  	s24 =	simm.s32 $0x1B8B  }
0xa8: {  	_ =	swait.ge [sflag:s24], $0x1  }
0xa9: {  	[sflag:s24] =	ssyncset.done $0x0  }
0xaa: {  	s25 =	simm.s32 $0x1B8E;
	[sflag:s24] =	ssyncadd.s32 $0xFFFFFFFF  }
0xab: {  	s26 =	simm.s32 $execute0_lowered;
	[smem:$0x3FD2] =	sst s25  }
0xac: {  	s6 =	sshll.u32 s26, $0x1;
	_ =	strace $0x80000046;
	[dreg:$0x1] =	wrdreg $0xFFFFFFFF  }
0xad: {  	s28 =	simm.s32 $_size_execute0_lowered;
	s5 =	sadd.s32 s5, s6;
	[dreg:$0x0] =	wrdreg $0x0  }
0xae: {  	s6 =	sshll.u32 s28, $0x1;
	[dreg:$0x2] =	wrdreg s5  }
0xaf: {  	[dreg:$0x3] =	wrdreg s6  }
0xb0: {  	[dreg:$0x4] =	wrdreg $0xC0  }
0xb1: {  	_ =	task [dreg:s9], $0x5FFFF  }
0xb2: {  	[dreg:$0x1] =	wrdreg $0xFFFFFFFF  }
0xb3: {  	[dreg:$0x0] =	wrdreg $0x60  }
0xb4: {  	[dreg:$0x2] =	wrdreg s17  }
0xb5: {  	[dreg:$0x3] =	wrdreg s18  }
0xb6: {  	[dreg:$0x4] =	wrdreg s19  }
0xb7: {  	[dreg:$0x5] =	wrdreg $0x9  }
0xb8: {  	_ =	task.clear_ibuf [dreg:s9], $0x6FFFF;
	_ =	strace $0x90000046  }
0xb9: {  	s29 =	simm.s32 $0x9;
	_ =	strace $0x80000048  }
0xba: {  	_ =	swait.ge [sflag:s29], $0x1  }
0xbb: {  	[sflag:s29] =	ssyncadd.s32 $0xFFFFFFFF  }
0xbc: {  	_ =	strace $0x90000048  }
0xbd: {  	_ =	sfence  }
0xbe: {  	s30 =	sld [smem:$0x0];
	_ =	sdelay $0x2  }
0xbf: {  	s31 =	sshll.u32 s1, $0xD;
	s1 =	sshrl.u32 s1, $0x2  }
0xc0: {  	s3 =	sand.u32 $0x4000, s31;
	s1 =	sadd.s32 s1, s30  }
0xc1: {  	s0 =	sor.u32 s3, s0;
	s1 =	sshll.u32 s1, $0x11  }
0xc2: {  	s0 =	sor.u32 s1, s0  }
0xc3: {  	s0 =	sadd.s32 $0x8F2B, s0  }
0xc4: {  	[sflag:s0] =	ssyncadd.remote.s32 $0x1  }
0xc5: {  	_ =	sfence.sel $0xFFFF  }
0xc6: {  	[dreg:$0x0] =	wrdreg $0xFFFFFFFF;
	(pc) =	sbr.abs _section_cstart, $3  }
0xc7: {  	[dreg:$0x1] =	wrdreg $0xFFFFFFFF  }
0xc8: {  	_ =	task.clear_ibuf [dreg:s9], $0x2FFFF;
	_ =	strace $0x9FFFFFFF  }
0xc9: {  	(tm) =	ssettm $0x7FFFFFFF  }
tec
execute0_lowered:
.L_overlay_start_1:
0x0: {  	(tag) =	ssettag $0x1  }
0x1: {  	s3 =	rddreg [dreg:$0x0]  }
0x2: {  	s4 =	rddreg [dreg:$0x1]  }
0x3: {  	s5 =	rddreg [dreg:$0x2];
	s2 =	srdreg.scid  }
0x4: {  	s0 =	rddreg [dreg:$0x3];
	s1 =	stileid.u32;
	s10 =	simm.s32 $0x0  }
0x5: {  	s6 =	sand.u32 $0x1, s2;
	s2 =	simm.s32 $0x0;
	s7 =	sshll.u32 s1, $0xA  }
0x6: {  	s8 =	sshll.u32 s6, $0x9;
	[smem:$0x7FF] =	sst s2;
	s6 =	ssub.s32 $0x2, s6  }
0x7: {  	s7 =	sor.u32 s8, s7;
	_ =	strace $0x80000047;
	s31 =	sshrl.u32 s6, $0x1  }
0x8: {  	s8 =	simm.s32 $0x1000;
	s9 =	sshrl.u32 s7, $0x2;
	s6 =	ssub.s32 s6, s31  }
0x9: {  	s3 =	sadd.s32 s3, s7;
	s7 =	simm.s32 $0x1;
	s4 =	sadd.s32 s4, s9  }
0xa: {  	v0 =	vimm.s32 $0x7;
	s5 =	sadd.s32 s5, s9;
	s6 =	smax.u32 s6, $0x1;
	s9 =	simm.s32 $0x1400  }
.LBB2_1:
0xb: {  	[tilespmem:s2], [sflag:$0x1] =	stream.linear.gather [hbm4b:s3+s2], $0x1000, $0x38;
	[tilespmem:$0x1800] =	vst v63  }
0xc: {  	s12 =	simm.s32 $0x0;
	_ =	swait.ge [sflag:s7], $0x1000  }
0xd: {  	s11 =	sand.u32 $0x70, s2;
	s12 =	sand.u32 $0x3FFFFC00, s12;
	[sflag:s7] =	ssyncset.done $0x0  }
0xe: {  	s12 =	sor.u32 s11, s12;
	[sflag:s7] =	ssyncadd.s32 $0xFFFFF000  }
0xf: {  	v1 =	vld [tilespmem:s12+$0x0]  }
0x10: {  	v2 =	vld [tilespmem:s12+$0x80]  }
0x11: {  	v3 =	vld [tilespmem:s12+$0x100]  }
0x12: {  	v4 =	vld [tilespmem:s12+$0x180]  }
0x13: {  	v5 =	vld [tilespmem:s12+$0x200]  }
0x14: {  	v6 =	vld [tilespmem:s12+$0x280]  }
0x15: {  	v7 =	vld [tilespmem:s12+$0x300];
	v8 =	vmax.f32 v1, v2  }
0x16: {  	v9 =	vld [tilespmem:s12+$0x380];
	v8 =	vmax.f32 v8, v3  }
0x17: {  	v8 =	vmax.f32 v8, v4  }
0x18: {  	v8 =	vmax.f32 v8, v5  }
0x19: {  	v8 =	vmax.f32 v8, v6  }
0x1a: {  	v8 =	vmax.f32 v8, v7  }
0x1b: {  	v8 =	vmax.f32 v8, v9  }
0x1c: {  	vm0 =	veq.f32 v7, v8  }
0x1d: {  	vm1 =	veq.f32 v6, v8;
	v10 =	vsel vm0, $0x6, v0  }
0x1e: {  	vm11 =	veq.f32 v5, v8;
	v10 =	vsel vm1, $0x5, v10  }
0x1f: {  	vm12 =	veq.f32 v4, v8;
	v10 =	vsel vm11, $0x4, v10  }
0x20: {  	vm13 =	veq.f32 v3, v8;
	v10 =	vsel vm12, $0x3, v10  }
0x21: {  	vm14 =	veq.f32 v2, v8;
	v10 =	vsel vm13, $0x2, v10  }
0x22: {  	vm15 =	vne.f32 v1, v8;
	v10 =	vsel vm14, $0x1, v10  }
0x23: {  	vm1 =	vmand vm15, vm14;
	v10 =	vnsel vm15, $0x0, v10  }
0x24: {  	v1 =	vnsel vm15, $0xBF800000, v1;
	v2 =	vsel vm1, $0xBF800000, v2;
	vm4 =	veq.s32 v10, $0x2  }
0x25: {  	v11 =	vmax.f32 v1, v2;
	vm5 =	veq.s32 v10, $0x3;
	v3 =	vsel vm4, $0xBF800000, v3  }
0x26: {  	vm6 =	veq.s32 v10, $0x4;
	v4 =	vsel vm5, $0xBF800000, v4;
	v11 =	vmax.f32 v11, v3  }
0x27: {  	vm7 =	veq.s32 v10, $0x5;
	v5 =	vsel vm6, $0xBF800000, v5;
	v11 =	vmax.f32 v11, v4  }
0x28: {  	vm8 =	veq.s32 v10, $0x6;
	v6 =	vsel vm7, $0xBF800000, v6;
	v11 =	vmax.f32 v11, v5  }
0x29: {  	vm9 =	veq.s32 v10, $0x7;
	v7 =	vsel vm8, $0xBF800000, v7;
	v11 =	vmax.f32 v11, v6  }
0x2a: {  	v9 =	vsel vm9, $0xBF800000, v9;
	v11 =	vmax.f32 v11, v7  }
0x2b: {  	v9 =	vmax.f32 v11, v9  }
0x2c: {  	v11 =	vadd.f32 v9, v8;
	_ =	sdelay $0x1  }
0x2d: {  	v11 =	vadd.f32 $9.999999970e-07, v11;
	_ =	sdelay $0x1  }
0x2e: {  	(erf) = vrcp.f32 v11;
	_ =	sdelay $0x1  }
0x2f: {  	vm0 =	veq.f32 v7, v9  }
0x30: {  	vm10 =	veq.f32 v6, v9;
	v61 =	vsel vm0, $0x6, v0  }
0x31: {  	vm11 =	veq.f32 v5, v9;
	v62 =	vsel vm10, $0x5, v61  }
0x32: {  	vm12 =	veq.f32 v4, v9;
	v63 =	vsel vm11, $0x4, v62  }
0x33: {  	s31 =	simm.s32 $0x0;
	vm13 =	veq.f32 v3, v9;
	v3 =	vsel vm12, $0x3, v63  }
0x34: {  	s12 =	sand.u32 $0xFFFFFF00, s31;
	vm14 =	veq.f32 v2, v9;
	v2 =	vsel vm13, $0x2, v3  }
0x35: {  	s14 =	sor.u32 s11, s12;
	vm15 =	veq.f32 v1, v9;
	v1 =	vsel vm14, $0x1, v2  }
0x36: {  	[tilespmem:s14+$0x1400] =	vst v10;
	v1 =	vsel vm15, $0x0, v1;
	v3 =	vpop (erf)  }
0x37: {  	s15 =	simm.s32 $0x2;
	s11 =	simm.s32 $0x1;
	s12 =	simm.s32 $0x0;
	[tilespmem:s14+$0x1480] =	vst v1;
	v2 =	vmul.f32 v3, v8;
	v1 =	vmul.f32 v3, v9  }
.LBB2_2:
0x38: {  	s16 =	sshll.u32 s11, $0x7  }
0x39: {  	s12 =	sadd.s32 $0x10, s12;
	s17 =	smov.u32 s15;
	s13 =	sadd.s32 $0x1, s15  }
0x3a: {  	p0 =	sne.s32 s15, $0x1F;
	s15 =	sand.u32 $0x70, s12;
	s16 =	sand.u32 $0x3FFFFC00, s16;
	[tilespmem:s14+$0x1000] =	vst v2  }
0x3b: {  	s16 =	sor.u32 s15, s16;
	[tilespmem:s14+$0x1080] =	vst v1  }
0x3c: {  	v1 =	vld [tilespmem:s16+$0x0]  }
0x3d: {  	v2 =	vld [tilespmem:s16+$0x80]  }
0x3e: {  	v3 =	vld [tilespmem:s16+$0x100]  }
0x3f: {  	v4 =	vld [tilespmem:s16+$0x180]  }
0x40: {  	v5 =	vld [tilespmem:s16+$0x200]  }
0x41: {  	v6 =	vld [tilespmem:s16+$0x280]  }
0x42: {  	v7 =	vld [tilespmem:s16+$0x300];
	v8 =	vmax.f32 v1, v2  }
0x43: {  	v9 =	vld [tilespmem:s16+$0x380];
	v8 =	vmax.f32 v8, v3  }
0x44: {  	v8 =	vmax.f32 v8, v4  }
0x45: {  	v8 =	vmax.f32 v8, v5  }
0x46: {  	v8 =	vmax.f32 v8, v6  }
0x47: {  	v8 =	vmax.f32 v8, v7  }
0x48: {  	v8 =	vmax.f32 v8, v9  }
0x49: {  	vm0 =	veq.f32 v7, v8;
	vm1 =	veq.f32 v6, v8;
	vm2 =	veq.f32 v3, v8  }
0x4a: {  	vm3 =	veq.f32 v2, v8;
	v10 =	vsel vm0, $0x6, v0;
	vm0 =	veq.f32 v5, v8  }
0x4b: {  	vm4 =	vne.f32 v1, v8;
	v10 =	vsel vm1, $0x5, v10;
	vm1 =	veq.f32 v4, v8  }
0x4c: {  	v1 =	vnsel vm4, $0xBF800000, v1;
	v10 =	vsel vm0, $0x4, v10;
	vm0 =	vmand vm4, vm3  }
0x4d: {  	v10 =	vsel vm1, $0x3, v10;
	v2 =	vsel vm0, $0xBF800000, v2  }
0x4e: {  	s14 =	sshll.u32 s11, $0x5;
	s11 =	smov.u32 s17;
	v10 =	vsel vm2, $0x2, v10  }
0x4f: {  	s14 =	sand.u32 $0xFFFFFF00, s14;
	v10 =	vsel vm3, $0x1, v10  }
0x50: {  	s14 =	sor.u32 s15, s14;
	v11 =	vmax.f32 v1, v2;
	v10 =	vnsel vm4, $0x0, v10  }
0x51: {  	vm0 =	veq.s32 v10, $0x2;
	vm1 =	veq.s32 v10, $0x3;
	vm2 =	veq.s32 v10, $0x4;
	[tilespmem:s14+$0x1400] =	vst v10  }
0x52: {  	v3 =	vsel vm0, $0xBF800000, v3;
	v4 =	vsel vm1, $0xBF800000, v4;
	vm0 =	veq.s32 v10, $0x5  }
0x53: {  	v5 =	vsel vm2, $0xBF800000, v5;
	vm1 =	veq.s32 v10, $0x6;
	v11 =	vmax.f32 v11, v3  }
0x54: {  	v6 =	vsel vm0, $0xBF800000, v6;
	vm0 =	veq.s32 v10, $0x7;
	v10 =	vmax.f32 v11, v4  }
0x55: {  	v7 =	vsel vm1, $0xBF800000, v7;
	v10 =	vmax.f32 v10, v5  }
0x56: {  	v9 =	vsel vm0, $0xBF800000, v9;
	v10 =	vmax.f32 v10, v6  }
0x57: {  	v10 =	vmax.f32 v10, v7  }
0x58: {  	v9 =	vmax.f32 v10, v9  }
0x59: {  	vm0 =	veq.f32 v7, v9;
	vm1 =	veq.f32 v6, v9;
	v6 =	vadd.f32 v9, v8  }
0x5a: {  	vm2 =	veq.f32 v4, v9;
	v7 =	vsel vm0, $0x6, v0;
	vm0 =	veq.f32 v5, v9  }
0x5b: {  	v4 =	vsel vm1, $0x5, v7;
	vm1 =	veq.f32 v3, v9;
	v3 =	vadd.f32 $9.999999970e-07, v6  }
0x5c: {  	vm3 =	veq.f32 v1, v9;
	v4 =	vsel vm0, $0x4, v4;
	vm0 =	veq.f32 v2, v9  }
0x5d: {  	v1 =	vsel vm2, $0x3, v4;
	(erf) = vrcp.f32 v3  }
0x5e: {  	v1 =	vsel vm1, $0x2, v1  }
0x5f: {  	v1 =	vsel vm0, $0x1, v1  }
0x60: {  	v1 =	vsel vm3, $0x0, v1  }
0x61: {  	[tilespmem:s14+$0x1480] =	vst v1;
	_ =	sdelay $0x1  }
.Ltmp0:
0x62: {  	(pc) =	sbr.rel @p0 .LBB2_2-.Ltmp0, $3  }
0x63: {  	_ =	sdelay $0x1  }
0x64: {  	v1 =	vpop (erf)  }
0x65: {  	s15 =	smov.u32 s13;
	v2 =	vmul.f32 v1, v8;
	v1 =	vmul.f32 v1, v9  }
0x66: {  	s13 =	sshll.u32 s11, $0x7;
	s12 =	sadd.s32 $0x10, s12  }
0x67: {  	s12 =	sand.u32 $0x70, s12;
	s13 =	sand.u32 $0x3FFFFC00, s13;
	[tilespmem:s14+$0x1000] =	vst v2  }
0x68: {  	[tilespmem:s14+$0x1080] =	vst v1;
	s13 =	sor.u32 s12, s13  }
0x69: {  	v1 =	vld [tilespmem:s13+$0x0]  }
0x6a: {  	v2 =	vld [tilespmem:s13+$0x80]  }
0x6b: {  	v3 =	vld [tilespmem:s13+$0x100]  }
0x6c: {  	v4 =	vld [tilespmem:s13+$0x180]  }
0x6d: {  	v5 =	vld [tilespmem:s13+$0x200]  }
0x6e: {  	v6 =	vld [tilespmem:s13+$0x280]  }
0x6f: {  	v7 =	vld [tilespmem:s13+$0x300];
	v8 =	vmax.f32 v1, v2  }
0x70: {  	v9 =	vld [tilespmem:s13+$0x380];
	v8 =	vmax.f32 v8, v3  }
0x71: {  	v8 =	vmax.f32 v8, v4  }
0x72: {  	v8 =	vmax.f32 v8, v5  }
0x73: {  	v8 =	vmax.f32 v8, v6  }
0x74: {  	v8 =	vmax.f32 v8, v7  }
0x75: {  	v8 =	vmax.f32 v8, v9  }
0x76: {  	vm0 =	veq.f32 v7, v8  }
0x77: {  	vm1 =	veq.f32 v6, v8;
	v10 =	vsel vm0, $0x6, v0  }
0x78: {  	vm11 =	veq.f32 v5, v8;
	v10 =	vsel vm1, $0x5, v10  }
0x79: {  	vm12 =	veq.f32 v4, v8;
	v10 =	vsel vm11, $0x4, v10  }
0x7a: {  	vm13 =	veq.f32 v3, v8;
	v10 =	vsel vm12, $0x3, v10  }
0x7b: {  	vm14 =	veq.f32 v2, v8;
	v10 =	vsel vm13, $0x2, v10  }
0x7c: {  	vm15 =	vne.f32 v1, v8;
	v10 =	vsel vm14, $0x1, v10  }
0x7d: {  	vm1 =	vmand vm15, vm14;
	v10 =	vnsel vm15, $0x0, v10  }
0x7e: {  	v1 =	vnsel vm15, $0xBF800000, v1;
	v2 =	vsel vm1, $0xBF800000, v2;
	vm4 =	veq.s32 v10, $0x2  }
0x7f: {  	v11 =	vmax.f32 v1, v2;
	vm5 =	veq.s32 v10, $0x3;
	v3 =	vsel vm4, $0xBF800000, v3  }
0x80: {  	vm6 =	veq.s32 v10, $0x4;
	v4 =	vsel vm5, $0xBF800000, v4;
	v11 =	vmax.f32 v11, v3  }
0x81: {  	vm7 =	veq.s32 v10, $0x5;
	v5 =	vsel vm6, $0xBF800000, v5;
	v11 =	vmax.f32 v11, v4  }
0x82: {  	vm8 =	veq.s32 v10, $0x6;
	v6 =	vsel vm7, $0xBF800000, v6;
	v11 =	vmax.f32 v11, v5  }
0x83: {  	vm9 =	veq.s32 v10, $0x7;
	v7 =	vsel vm8, $0xBF800000, v7;
	v11 =	vmax.f32 v11, v6  }
0x84: {  	v9 =	vsel vm9, $0xBF800000, v9;
	v11 =	vmax.f32 v11, v7  }
0x85: {  	v9 =	vmax.f32 v11, v9  }
0x86: {  	v11 =	vadd.f32 v9, v8;
	_ =	sdelay $0x1  }
0x87: {  	v11 =	vadd.f32 $9.999999970e-07, v11;
	_ =	sdelay $0x1  }
0x88: {  	(erf) = vrcp.f32 v11  }
0x89: {  	vm0 =	veq.f32 v7, v9  }
0x8a: {  	vm10 =	veq.f32 v6, v9;
	v61 =	vsel vm0, $0x6, v0  }
0x8b: {  	vm11 =	veq.f32 v5, v9;
	v62 =	vsel vm10, $0x5, v61  }
0x8c: {  	vm12 =	veq.f32 v4, v9;
	v63 =	vsel vm11, $0x4, v62  }
0x8d: {  	vm13 =	veq.f32 v3, v9;
	v3 =	vsel vm12, $0x3, v63  }
0x8e: {  	vm14 =	veq.f32 v2, v9;
	v2 =	vsel vm13, $0x2, v3  }
0x8f: {  	s31 =	sshll.u32 s11, $0x5  }
0x90: {  	s11 =	sand.u32 $0xFFFFFF00, s31  }
0x91: {  	s11 =	sor.u32 s12, s11;
	vm15 =	veq.f32 v1, v9;
	v1 =	vsel vm14, $0x1, v2;
	v2 =	vpop (erf)  }
0x92: {  	[tilespmem:s11+$0x1400] =	vst v10;
	v1 =	vsel vm15, $0x0, v1;
	v3 =	vmul.f32 v2, v8  }
0x93: {  	[tilespmem:s11+$0x1480] =	vst v1;
	v1 =	vmul.f32 v2, v9  }
0x94: {  	[tilespmem:s11+$0x1000] =	vst v3  }
0x95: {  	[tilespmem:s11+$0x1080] =	vst v1  }
0x96: {  	[hbm4b:s4+s2] =	stream.linear.scatter [tilespmem:s8], [sflag:$0x1], $0x400, $0x38;
	[tilespmem:$0x1800] =	vst v63  }
0x97: {  	s10 =	sadd.s32 $0x1, s10;
	_ =	swait.ge [sflag:s7], $0x400  }
0x98: {  	p0 =	sne.s32 s10, s6;
	[sflag:s7] =	ssyncset.done $0x0  }
.Ltmp1:
0x99: {  	[sflag:s7] =	ssyncadd.s32 $0xFFFFFC00;
	(pc) =	sbr.rel @p0 .LBB2_1-.Ltmp1, $4  }
0x9a: {  	[hbm4b:s5+s2] =	stream.linear.scatter [tilespmem:s9], [sflag:$0x1], $0x400, $0x38;
	[tilespmem:$0x1800] =	vst v63  }
0x9b: {  	_ =	swait.ge [sflag:s7], $0x400  }
0x9c: {  	[sflag:s7] =	ssyncset.done $0x0  }
0x9d: {  	[sflag:s7] =	ssyncadd.s32 $0xFFFFFC00  }
0x9e: {  	_ =	sfence.sel $0x180000  }
0x9f: {  	[bflag:$0x0] =	sbarrier.arrive $0xFFFF  }
0xa0: {  	p0 =	sne.s32 s1, $0x0;
	_ =	strace $0x90000047  }
0xa1: {  	s0 =	sadd.s32 @!p0 $0x100000, s0;
	[bflag:$0x2] =	sbarrier.arrive $0xFFFF  }
0xa2: {  	[sflag:s0] =	ssyncadd.tile.s32 @!p0 $0x1;
	_ =	shalt  }
.Lfunc_end2:
_tile_overlayer_lowered:
.L_overlay_start_2:
0xa3: {  	(tag) =	ssettag $0x2  }
0xa4: {  	s0 =	rddreg [dreg:$0x0];
	s2 =	stileid.u32  }
0xa5: {  	s1 =	rddreg [dreg:$0x1];
	p0 =	sne.s32 s2, $0x0  }
0xa6: {  	s3 =	rddreg [dreg:$0x2];
	[bflag:$0x3] =	sbarrier.arrive $0xFFFF;
	s2 =	simm.s32 @!p0 $0x1C01  }
0xa7: {  	[timem:s3], [sflag:s2] =	dma.local @!p0 [hbm:s0], s1  }
0xa8: {  	s0 =	simm.s32 @!p0 $0x1  }
0xa9: {  	_ =	swait.ge @!p0 [sflag:s0], s1  }
0xaa: {  	s1 =	ssub.s32 @!p0 $0x0, s1;
	[sflag:s0] =	ssyncset.done @!p0 $0x0  }
0xab: {  	[sflag:s0] =	ssyncadd.s32 @!p0 s1  }
0xac: {  	[bflag:$0x3] =	sbarrier.arrive $0xFFFF  }
0xad: {  	_ =	shalt  }

</sc_bundles>
